<compile_context>
chip_gen: v7x
topology: tpu7x:2x2x1
jax: 0.10.2.dev20260603
libtpu: 0.0.44.dev20260713+nightly
codegen_flags: <defaults>
</compile_context>

<pallas_src>
import functools

import jax
import jax.numpy as jnp
from jax import lax
from jax.experimental import pallas as pl
from jax.experimental.pallas import tpu as pltpu
from jax.experimental.pallas import tpu_sc as plsc

N = 10000
NP = 10240
E = 320000
D = 128
H = 64
EIN = 16
NS = 16
K = 128
EP = 327680
PER_TILE = EP // NS
NPT = NP // NS

_LN2 = 0.6931471805599453


def _ssp(x):
    return jax.nn.softplus(x) - _LN2



def _hv_body(x_ref, w_ref, b_ref, out_ref):
    hv = jnp.dot(x_ref[...], w_ref[...], preferred_element_type=jnp.float32)
    out_ref[...] = hv + b_ref[...]


def _hv_proj(x, w, b):
    BN = 2048
    return pl.pallas_call(
        _hv_body,
        grid=(NP // BN,),
        in_specs=[
            pl.BlockSpec((BN, D), lambda i: (i, 0)),
            pl.BlockSpec((D, D), lambda i: (0, 0)),
            pl.BlockSpec((1, D), lambda i: (0, 0)),
        ],
        out_specs=pl.BlockSpec((BN, D), lambda i: (i, 0)),
        out_shape=jax.ShapeDtypeStruct((NP, D), jnp.float32),
    )(x, w, b.reshape(1, D))



def _he_body(ef_ref, w1_ref, b1_ref, w2_ref, b2_ref, out_ref, *, be):
    h1 = jnp.dot(ef_ref[...], w1_ref[...], preferred_element_type=jnp.float32)
    h1 = _ssp(h1 + b1_ref[...])
    h2 = jnp.dot(h1, w2_ref[...], preferred_element_type=jnp.float32)
    h2 = _ssp(h2 + b2_ref[...])
    i = pl.program_id(0)
    row = i * be + lax.broadcasted_iota(jnp.int32, (be, 1), 0)
    out_ref[...] = jnp.where(row < E, h2, 0.0)


def _he_proj(ef, w1, b1, w2, b2):
    BE = 2048
    last = E // BE
    return pl.pallas_call(
        functools.partial(_he_body, be=BE),
        grid=(EP // BE,),
        in_specs=[
            pl.BlockSpec((BE, EIN), lambda i: (jnp.minimum(i, last), 0)),
            pl.BlockSpec((EIN, D), lambda i: (0, 0)),
            pl.BlockSpec((1, D), lambda i: (0, 0)),
            pl.BlockSpec((D, D), lambda i: (0, 0)),
            pl.BlockSpec((1, D), lambda i: (0, 0)),
        ],
        out_specs=pl.BlockSpec((BE, D), lambda i: (i, 0)),
        out_shape=jax.ShapeDtypeStruct((EP, D), jnp.float32),
    )(ef, w1, b1.reshape(1, D), w2, b2.reshape(1, D))



def _sc_body(hv_hbm, he_hbm, src_hbm, dst_hbm, zero_hbm, out_hbm,
             hv_s, acc_s, idx_src, idx_dst, rows, heb):
    c = lax.axis_index("c")
    s = lax.axis_index("s")
    csl = pl.ds(pl.multiple_of(c * H, H), H)

    nsl = pl.ds(pl.multiple_of(s * NPT, 8), NPT)
    pltpu.sync_copy(hv_hbm.at[nsl, csl], hv_s.at[nsl, :])
    pltpu.sync_copy(zero_hbm, acc_s.at[nsl, :])
    plsc.subcore_barrier()

    base = s * PER_TILE

    def chunk(ci, carry):
        off = pl.multiple_of(base + ci * K, 8)
        pltpu.sync_copy(src_hbm.at[pl.ds(off, K)], idx_src)
        pltpu.sync_copy(dst_hbm.at[pl.ds(off, K)], idx_dst)
        pltpu.sync_copy(he_hbm.at[pl.ds(off, K), csl], heb)
        pltpu.sync_copy(hv_s.at[idx_src], rows)

        def mul_row(j, cc):
            for v in range(H // 16):
                sl = pl.ds(v * 16, 16)
                rows[j, sl] = rows[j, sl] * heb[j, sl]
            return cc
        lax.fori_loop(0, K, mul_row, 0)

        pltpu.sync_copy(rows, acc_s.at[idx_dst], add=True)
        return carry

    lax.fori_loop(0, PER_TILE // K, chunk, 0)
    plsc.subcore_barrier()

    pltpu.sync_copy(acc_s.at[nsl, :], out_hbm.at[nsl, csl])


def _sc_aggregate(hv, he, src, dst, zeros):
    mesh = plsc.VectorSubcoreMesh(core_axis_name="c", subcore_axis_name="s")
    f = pl.kernel(
        _sc_body,
        out_type=jax.ShapeDtypeStruct((NP, D), jnp.float32),
        mesh=mesh,
        scratch_types=[
            pltpu.VMEM_SHARED((NP, H), jnp.float32),
            pltpu.VMEM_SHARED((NP, H), jnp.float32),
            pltpu.VMEM((K,), jnp.int32),
            pltpu.VMEM((K,), jnp.int32),
            pltpu.VMEM((K, H), jnp.float32),
            pltpu.VMEM((K, H), jnp.float32),
        ],
        compiler_params=pltpu.CompilerParams(use_tc_tiling_on_sc=False),
    )
    return f(hv, he, src, dst, zeros)



def _out_body(h_ref, wc_ref, bc_ref, wo_ref, bo_ref, out_ref):
    t = jnp.dot(h_ref[...], wc_ref[...], preferred_element_type=jnp.float32)
    t = _ssp(t + bc_ref[...])
    o = jnp.dot(t, wo_ref[...], preferred_element_type=jnp.float32)
    out_ref[...] = o + bo_ref[...]


def _project_out(h, w_co, b_co, w_out, b_out):
    BN = 2000
    return pl.pallas_call(
        _out_body,
        grid=(N // BN,),
        in_specs=[
            pl.BlockSpec((BN, D), lambda i: (i, 0)),
            pl.BlockSpec((D, D), lambda i: (0, 0)),
            pl.BlockSpec((1, D), lambda i: (0, 0)),
            pl.BlockSpec((D, D), lambda i: (0, 0)),
            pl.BlockSpec((1, D), lambda i: (0, 0)),
        ],
        out_specs=pl.BlockSpec((BN, D), lambda i: (i, 0)),
        out_shape=jax.ShapeDtypeStruct((N, D), jnp.float32),
    )(h, w_co, b_co.reshape(1, D), w_out, b_out.reshape(1, D))



def kernel(node_feats, edge_feats, edge_index,
           W_pn, b_pn, W_e1, b_e1, W_e2, b_e2, W_co, b_co, W_out, b_out):
    src = edge_index[0].astype(jnp.int32)
    dst = edge_index[1].astype(jnp.int32)
    pad = jnp.zeros((EP - E,), jnp.int32)
    src_p = jnp.concatenate([src, pad])
    dst_p = jnp.concatenate([dst, pad])
    zeros = jnp.zeros((NPT, H), jnp.float32)

    hv = _hv_proj(node_feats, W_pn, b_pn)
    he = _he_proj(edge_feats, W_e1, b_e1, W_e2, b_e2)
    h = _sc_aggregate(hv, he, src_p, dst_p, zeros)
    return _project_out(h, W_co, b_co, W_out, b_out)

# --- scband reference (transcript-rebuilt; emitter-appended) ---
"""Pipeline reference for scband-sch-interaction-44590350467107 (READ-ONLY COPY).

The authoritative reference and input builder live on the scoring server;
editing this copy changes nothing except your own understanding.
"""

import jax, jax.numpy as jnp
import numpy as np

N_NODES = 10000
N_EDGES = 320000
NODE_FEATS = 128
EDGE_IN_FEATS = 16

def ssp(x):
    # ShiftedSoftplus: softplus(x) - log(2)
    return jax.nn.softplus(x) - jnp.log(2.0)

def setup_inputs(seed: int = 0) -> dict:
    key = jax.random.key(seed)
    ks = jax.random.split(key, 12)
    node_feats = jax.random.normal(ks[0], (N_NODES, NODE_FEATS), dtype=jnp.float32)
    edge_feats = jax.random.normal(ks[1], (N_EDGES, EDGE_IN_FEATS), dtype=jnp.float32)
    edge_index = jax.random.randint(ks[2], (2, N_EDGES), 0, N_NODES, dtype=jnp.int64)
    def lin(k, fan_in, shape):
        bound = 1.0 / np.sqrt(fan_in)
        return jax.random.uniform(k, shape, dtype=jnp.float32, minval=-bound, maxval=bound)
    # CFConv.project_node: Linear(node_feats, hidden=node_feats)
    W_pn = lin(ks[3], NODE_FEATS, (NODE_FEATS, NODE_FEATS)); b_pn = lin(ks[4], NODE_FEATS, (NODE_FEATS,))
    # CFConv.project_edge: Linear(edge_in, hidden), SSP, Linear(hidden, hidden), SSP
    W_e1 = lin(ks[5], EDGE_IN_FEATS, (EDGE_IN_FEATS, NODE_FEATS)); b_e1 = lin(ks[5], EDGE_IN_FEATS, (NODE_FEATS,))
    W_e2 = lin(ks[6], NODE_FEATS, (NODE_FEATS, NODE_FEATS)); b_e2 = lin(ks[7], NODE_FEATS, (NODE_FEATS,))
    # CFConv.project_out: Linear(hidden, out), SSP
    W_co = lin(ks[8], NODE_FEATS, (NODE_FEATS, NODE_FEATS)); b_co = lin(ks[9], NODE_FEATS, (NODE_FEATS,))
    # SchInteraction.project_out: Linear(node_feats, node_feats)
    W_out = lin(ks[10], NODE_FEATS, (NODE_FEATS, NODE_FEATS)); b_out = lin(ks[11], NODE_FEATS, (NODE_FEATS,))
    return {"node_feats": node_feats, "edge_feats": edge_feats, "edge_index": edge_index,
            "W_pn": W_pn, "b_pn": b_pn, "W_e1": W_e1, "b_e1": b_e1,
            "W_e2": W_e2, "b_e2": b_e2, "W_co": W_co, "b_co": b_co,
            "W_out": W_out, "b_out": b_out}

def reference(node_feats, edge_feats, edge_index,
              W_pn, b_pn, W_e1, b_e1, W_e2, b_e2, W_co, b_co, W_out, b_out):
    src = edge_index[0]
    dst = edge_index[1]
    # CFConv
    hv = node_feats @ W_pn + b_pn                      # project_node
    he = ssp(edge_feats @ W_e1 + b_e1)                 # project_edge layer 1
    he = ssp(he @ W_e2 + b_e2)                         # project_edge layer 2
    m = jnp.take(hv, src, axis=0) * he                 # u_mul_e (gather + elementwise)
    h = jax.ops.segment_sum(m, dst, num_segments=node_feats.shape[0])  # sum aggregation (scatter-add)
    h = ssp(h @ W_co + b_co)                           # conv.project_out
    # SchInteraction.project_out
    return h @ W_out + b_out

if __name__ == "__main__":
    import jax
    _d = setup_inputs()
    print(jax.jit(kernel)(*tuple(_d.values())))

</pallas_src>

<mosaic_0001>
#map = affine_map<(d0, d1) -> (0, 0)>
#map1 = affine_map<(d0, d1) -> (0)>
module attributes {stable_mosaic.version = 14 : i64} {
  func.func @_sc_body(%arg0: i32, %arg1: i32, %arg2: memref<10240x128xf32, #tpu.memory_space<hbm>>, %arg3: memref<327680x128xf32, #tpu.memory_space<hbm>>, %arg4: memref<327680xi32, #tpu.memory_space<hbm>>, %arg5: memref<327680xi32, #tpu.memory_space<hbm>>, %arg6: memref<640x64xf32, #tpu.memory_space<hbm>>, %arg7: memref<10240x128xf32, #tpu.memory_space<hbm>>, %arg8: memref<10240x64xf32, #tpu.memory_space<vmem_shared>>, %arg9: memref<10240x64xf32, #tpu.memory_space<vmem_shared>>, %arg10: memref<128xi32, #tpu.memory_space<vmem>>, %arg11: memref<128xi32, #tpu.memory_space<vmem>>, %arg12: memref<128x64xf32, #tpu.memory_space<vmem>>, %arg13: memref<128x64xf32, #tpu.memory_space<vmem>>) attributes {dimension_semantics = [#tpu.dimension_semantics<core_parallel>, #tpu.dimension_semantics<subcore_parallel>], iteration_bounds = array<i64: 2, 16>, scalar_prefetch = 0 : i64, scratch_operands = 6 : i64, tpu.core_type = #tpu.core_type<sc_vector_subcore>, window_params = [{transform_indices = #map}, {transform_indices = #map}, {transform_indices = #map1}, {transform_indices = #map1}, {transform_indices = #map}, {transform_indices = #map}]} {
    %mul3A = arith.constant 64 : i32
    %mul3A_0 = arith.muli %arg0, %mul3A : i32
    %multiple_of3A = tpu.assume_multiple %mul3A_0, 64 : i32
    %mul3A_1 = arith.constant 640 : i32
    %mul3A_2 = arith.muli %arg1, %mul3A_1 : i32
    %multiple_of3A_3 = tpu.assume_multiple %mul3A_2, 8 : i32
    "tpu.region"() ({
      %run_scoped3A = tpu.sem_alloc : memref<!tpu.dma_semaphore, #tpu.memory_space<semaphore_mem>>
      %dma_start3A = arith.constant 0 : i32
      %dma_start3A_12 = tpu.memref_slice %arg8[%multiple_of3A_3, %dma_start3A] : memref<10240x64xf32, #tpu.memory_space<vmem_shared>> -> memref<640x64xf32, #tpu.memory_space<vmem_shared>>
      %dma_start3A_13 = tpu.memref_slice %arg2[%multiple_of3A_3, %multiple_of3A] : memref<10240x128xf32, #tpu.memory_space<hbm>> -> memref<640x64xf32, #tpu.memory_space<hbm>>
      tpu.enqueue_dma source(%dma_start3A_13 : memref<640x64xf32, #tpu.memory_space<hbm>>) target(%dma_start3A_12 : memref<640x64xf32, #tpu.memory_space<vmem_shared>>) target_semaphore(%run_scoped3A : memref<!tpu.dma_semaphore, #tpu.memory_space<semaphore_mem>>)
      %dma_wait3A = arith.constant 0 : i32
      %dma_wait3A_14 = tpu.memref_slice %arg8[%multiple_of3A_3, %dma_wait3A] : memref<10240x64xf32, #tpu.memory_space<vmem_shared>> -> memref<640x64xf32, #tpu.memory_space<vmem_shared>>
      %dma_wait3A_15 = tpu.memref_slice %arg2[%multiple_of3A_3, %multiple_of3A] : memref<10240x128xf32, #tpu.memory_space<hbm>> -> memref<640x64xf32, #tpu.memory_space<hbm>>
      tpu.wait_dma2 semaphore(%run_scoped3A : memref<!tpu.dma_semaphore, #tpu.memory_space<semaphore_mem>>) src(%dma_wait3A_15 : memref<640x64xf32, #tpu.memory_space<hbm>>) dst(%dma_wait3A_14 : memref<640x64xf32, #tpu.memory_space<vmem_shared>>)
      tpu.yield
    }) : () -> ()
    "tpu.region"() ({
      %run_scoped3A = tpu.sem_alloc : memref<!tpu.dma_semaphore, #tpu.memory_space<semaphore_mem>>
      %dma_start3A = arith.constant 0 : i32
      %dma_start3A_12 = tpu.memref_slice %arg9[%multiple_of3A_3, %dma_start3A] : memref<10240x64xf32, #tpu.memory_space<vmem_shared>> -> memref<640x64xf32, #tpu.memory_space<vmem_shared>>
      tpu.enqueue_dma source(%arg6 : memref<640x64xf32, #tpu.memory_space<hbm>>) target(%dma_start3A_12 : memref<640x64xf32, #tpu.memory_space<vmem_shared>>) target_semaphore(%run_scoped3A : memref<!tpu.dma_semaphore, #tpu.memory_space<semaphore_mem>>)
      %dma_wait3A = arith.constant 0 : i32
      %dma_wait3A_13 = tpu.memref_slice %arg9[%multiple_of3A_3, %dma_wait3A] : memref<10240x64xf32, #tpu.memory_space<vmem_shared>> -> memref<640x64xf32, #tpu.memory_space<vmem_shared>>
      tpu.wait_dma2 semaphore(%run_scoped3A : memref<!tpu.dma_semaphore, #tpu.memory_space<semaphore_mem>>) src(%arg6 : memref<640x64xf32, #tpu.memory_space<hbm>>) dst(%dma_wait3A_13 : memref<640x64xf32, #tpu.memory_space<vmem_shared>>)
      tpu.yield
    }) : () -> ()
    %barrier3A = arith.constant 0 : index
    tpu.barrier barrier_id(%barrier3A)
    %mul3A_4 = arith.constant 20480 : i32
    %mul3A_5 = arith.muli %arg1, %mul3A_4 : i32
    %scan3A = arith.constant 0 : i32
    %scan3A_6 = arith.constant 0 : i32
    %scan3A_7 = arith.constant 160 : i32
    %scan3A_8 = arith.addi %scan3A_6, %scan3A_7 : i32
    %scan3A_9 = arith.constant 1 : i32
    scf.for %scan3A_12 = %scan3A_6 to %scan3A_8 step %scan3A_9  : i32 {
      %mul3A_13 = arith.constant 128 : i32
      %mul3A_14 = arith.muli %scan3A_12, %mul3A_13 : i32
      %add3A = arith.addi %mul3A_5, %mul3A_14 : i32
      %multiple_of3A_15 = tpu.assume_multiple %add3A, 8 : i32
      "tpu.region"() ({
        %run_scoped3A = tpu.sem_alloc : memref<!tpu.dma_semaphore, #tpu.memory_space<semaphore_mem>>
        %dma_start3A = tpu.memref_slice %arg4[%multiple_of3A_15] : memref<327680xi32, #tpu.memory_space<hbm>> -> memref<128xi32, #tpu.memory_space<hbm>>
        %dma_start3A_22 = tpu.memref_slice %arg4[%multiple_of3A_15] : memref<327680xi32, #tpu.memory_space<hbm>> -> memref<128xi32, #tpu.memory_space<hbm>>
        tpu.enqueue_dma source(%dma_start3A_22 : memref<128xi32, #tpu.memory_space<hbm>>) target(%arg10 : memref<128xi32, #tpu.memory_space<vmem>>) target_semaphore(%run_scoped3A : memref<!tpu.dma_semaphore, #tpu.memory_space<semaphore_mem>>)
        %dma_wait3A = tpu.memref_slice %arg4[%multiple_of3A_15] : memref<327680xi32, #tpu.memory_space<hbm>> -> memref<128xi32, #tpu.memory_space<hbm>>
        %dma_wait3A_23 = tpu.memref_slice %arg4[%multiple_of3A_15] : memref<327680xi32, #tpu.memory_space<hbm>> -> memref<128xi32, #tpu.memory_space<hbm>>
        tpu.wait_dma2 semaphore(%run_scoped3A : memref<!tpu.dma_semaphore, #tpu.memory_space<semaphore_mem>>) src(%dma_wait3A_23 : memref<128xi32, #tpu.memory_space<hbm>>) dst(%arg10 : memref<128xi32, #tpu.memory_space<vmem>>)
        tpu.yield
      }) : () -> ()
      "tpu.region"() ({
        %run_scoped3A = tpu.sem_alloc : memref<!tpu.dma_semaphore, #tpu.memory_space<semaphore_mem>>
        %dma_start3A = tpu.memref_slice %arg5[%multiple_of3A_15] : memref<327680xi32, #tpu.memory_space<hbm>> -> memref<128xi32, #tpu.memory_space<hbm>>
        %dma_start3A_22 = tpu.memref_slice %arg5[%multiple_of3A_15] : memref<327680xi32, #tpu.memory_space<hbm>> -> memref<128xi32, #tpu.memory_space<hbm>>
        tpu.enqueue_dma source(%dma_start3A_22 : memref<128xi32, #tpu.memory_space<hbm>>) target(%arg11 : memref<128xi32, #tpu.memory_space<vmem>>) target_semaphore(%run_scoped3A : memref<!tpu.dma_semaphore, #tpu.memory_space<semaphore_mem>>)
        %dma_wait3A = tpu.memref_slice %arg5[%multiple_of3A_15] : memref<327680xi32, #tpu.memory_space<hbm>> -> memref<128xi32, #tpu.memory_space<hbm>>
        %dma_wait3A_23 = tpu.memref_slice %arg5[%multiple_of3A_15] : memref<327680xi32, #tpu.memory_space<hbm>> -> memref<128xi32, #tpu.memory_space<hbm>>
        tpu.wait_dma2 semaphore(%run_scoped3A : memref<!tpu.dma_semaphore, #tpu.memory_space<semaphore_mem>>) src(%dma_wait3A_23 : memref<128xi32, #tpu.memory_space<hbm>>) dst(%arg11 : memref<128xi32, #tpu.memory_space<vmem>>)
        tpu.yield
      }) : () -> ()
      "tpu.region"() ({
        %run_scoped3A = tpu.sem_alloc : memref<!tpu.dma_semaphore, #tpu.memory_space<semaphore_mem>>
        %dma_start3A = tpu.memref_slice %arg3[%multiple_of3A_15, %multiple_of3A] : memref<327680x128xf32, #tpu.memory_space<hbm>> -> memref<128x64xf32, #tpu.memory_space<hbm>>
        %dma_start3A_22 = tpu.memref_slice %arg3[%multiple_of3A_15, %multiple_of3A] : memref<327680x128xf32, #tpu.memory_space<hbm>> -> memref<128x64xf32, #tpu.memory_space<hbm>>
        tpu.enqueue_dma source(%dma_start3A_22 : memref<128x64xf32, #tpu.memory_space<hbm>>) target(%arg13 : memref<128x64xf32, #tpu.memory_space<vmem>>) target_semaphore(%run_scoped3A : memref<!tpu.dma_semaphore, #tpu.memory_space<semaphore_mem>>)
        %dma_wait3A = tpu.memref_slice %arg3[%multiple_of3A_15, %multiple_of3A] : memref<327680x128xf32, #tpu.memory_space<hbm>> -> memref<128x64xf32, #tpu.memory_space<hbm>>
        %dma_wait3A_23 = tpu.memref_slice %arg3[%multiple_of3A_15, %multiple_of3A] : memref<327680x128xf32, #tpu.memory_space<hbm>> -> memref<128x64xf32, #tpu.memory_space<hbm>>
        tpu.wait_dma2 semaphore(%run_scoped3A : memref<!tpu.dma_semaphore, #tpu.memory_space<semaphore_mem>>) src(%dma_wait3A_23 : memref<128x64xf32, #tpu.memory_space<hbm>>) dst(%arg13 : memref<128x64xf32, #tpu.memory_space<vmem>>)
        tpu.yield
      }) : () -> ()
      "tpu.region"() ({
        %run_scoped3A = tpu.sem_alloc : memref<!tpu.dma_semaphore, #tpu.memory_space<semaphore_mem>>
        %dma_start3A = arith.constant 0 : i32
        %dma_start3A_22 = arith.constant 0 : i32
        %dma_start3A_23 = tpu.memref_slice %arg8[%dma_start3A, %dma_start3A_22] : memref<10240x64xf32, #tpu.memory_space<vmem_shared>> -> memref<10240x64xf32, #tpu.memory_space<vmem_shared>>
        tpu.enqueue_indirect_dma source(%dma_start3A_23 : memref<10240x64xf32, #tpu.memory_space<vmem_shared>>) target(%arg12 : memref<128x64xf32, #tpu.memory_space<vmem>>) offsets(%arg10 : memref<128xi32, #tpu.memory_space<vmem>>) semaphore(%run_scoped3A : memref<!tpu.dma_semaphore, #tpu.memory_space<semaphore_mem>>)
        %dma_wait3A = arith.constant 0 : i32
        %dma_wait3A_24 = arith.constant 0 : i32
        %dma_wait3A_25 = tpu.memref_slice %arg8[%dma_wait3A, %dma_wait3A_24] : memref<10240x64xf32, #tpu.memory_space<vmem_shared>> -> memref<10240x64xf32, #tpu.memory_space<vmem_shared>>
        tpu.wait_indirect_dma semaphore(%run_scoped3A : memref<!tpu.dma_semaphore, #tpu.memory_space<semaphore_mem>>) src(%dma_wait3A_25 : memref<10240x64xf32, #tpu.memory_space<vmem_shared>>) dst(%arg12 : memref<128x64xf32, #tpu.memory_space<vmem>>)
        tpu.yield
      }) : () -> ()
      %scan3A_16 = arith.constant 0 : i32
      %scan3A_17 = arith.constant 0 : i32
      %scan3A_18 = arith.constant 128 : i32
      %scan3A_19 = arith.addi %scan3A_17, %scan3A_18 : i32
      %scan3A_20 = arith.constant 1 : i32
      scf.for %scan3A_22 = %scan3A_17 to %scan3A_19 step %scan3A_20  : i32 {
        %get3A = arith.index_cast %scan3A_22 : i32 to index
        %get3A_23 = arith.constant 0 : index
        %get3A_24 = tpu.vector_load %arg12[%get3A, %get3A_23] {strides = array<i32>} : memref<128x64xf32, #tpu.memory_space<vmem>>, vector<1x16xf32>,
        %get3A_25 = vector.shape_cast %get3A_24 : vector<1x16xf32> to vector<16xf32>
        %get3A_26 = arith.index_cast %scan3A_22 : i32 to index
        %get3A_27 = arith.constant 0 : index
        %get3A_28 = tpu.vector_load %arg13[%get3A_26, %get3A_27] {strides = array<i32>} : memref<128x64xf32, #tpu.memory_space<vmem>>, vector<1x16xf32>,
        %get3A_29 = vector.shape_cast %get3A_28 : vector<1x16xf32> to vector<16xf32>
        %mul3A_30 = arith.mulf %get3A_25, %get3A_29 : vector<16xf32>
        %swap3A = arith.index_cast %scan3A_22 : i32 to index
        %swap3A_31 = arith.constant 0 : index
        %swap3A_32 = tpu.vector_load %arg12[%swap3A, %swap3A_31] {strides = array<i32>} : memref<128x64xf32, #tpu.memory_space<vmem>>, vector<1x16xf32>,
        %swap3A_33 = vector.shape_cast %swap3A_32 : vector<1x16xf32> to vector<16xf32>
        %swap3A_34 = vector.shape_cast %mul3A_30 : vector<16xf32> to vector<1x16xf32>
        tpu.vector_store %arg12[%swap3A, %swap3A_31], %swap3A_34 {strides = array<i32>} : memref<128x64xf32, #tpu.memory_space<vmem>>, vector<1x16xf32>,
        %get3A_35 = arith.index_cast %scan3A_22 : i32 to index
        %get3A_36 = arith.constant 16 : index
        %get3A_37 = tpu.vector_load %arg12[%get3A_35, %get3A_36] {strides = array<i32>} : memref<128x64xf32, #tpu.memory_space<vmem>>, vector<1x16xf32>,
        %get3A_38 = vector.shape_cast %get3A_37 : vector<1x16xf32> to vector<16xf32>
        %get3A_39 = arith.index_cast %scan3A_22 : i32 to index
        %get3A_40 = arith.constant 16 : index
        %get3A_41 = tpu.vector_load %arg13[%get3A_39, %get3A_40] {strides = array<i32>} : memref<128x64xf32, #tpu.memory_space<vmem>>, vector<1x16xf32>,
        %get3A_42 = vector.shape_cast %get3A_41 : vector<1x16xf32> to vector<16xf32>
        %mul3A_43 = arith.mulf %get3A_38, %get3A_42 : vector<16xf32>
        %swap3A_44 = arith.index_cast %scan3A_22 : i32 to index
        %swap3A_45 = arith.constant 16 : index
        %swap3A_46 = tpu.vector_load %arg12[%swap3A_44, %swap3A_45] {strides = array<i32>} : memref<128x64xf32, #tpu.memory_space<vmem>>, vector<1x16xf32>,
        %swap3A_47 = vector.shape_cast %swap3A_46 : vector<1x16xf32> to vector<16xf32>
        %swap3A_48 = vector.shape_cast %mul3A_43 : vector<16xf32> to vector<1x16xf32>
        tpu.vector_store %arg12[%swap3A_44, %swap3A_45], %swap3A_48 {strides = array<i32>} : memref<128x64xf32, #tpu.memory_space<vmem>>, vector<1x16xf32>,
        %get3A_49 = arith.index_cast %scan3A_22 : i32 to index
        %get3A_50 = arith.constant 32 : index
        %get3A_51 = tpu.vector_load %arg12[%get3A_49, %get3A_50] {strides = array<i32>} : memref<128x64xf32, #tpu.memory_space<vmem>>, vector<1x16xf32>,
        %get3A_52 = vector.shape_cast %get3A_51 : vector<1x16xf32> to vector<16xf32>
        %get3A_53 = arith.index_cast %scan3A_22 : i32 to index
        %get3A_54 = arith.constant 32 : index
        %get3A_55 = tpu.vector_load %arg13[%get3A_53, %get3A_54] {strides = array<i32>} : memref<128x64xf32, #tpu.memory_space<vmem>>, vector<1x16xf32>,
        %get3A_56 = vector.shape_cast %get3A_55 : vector<1x16xf32> to vector<16xf32>
        %mul3A_57 = arith.mulf %get3A_52, %get3A_56 : vector<16xf32>
        %swap3A_58 = arith.index_cast %scan3A_22 : i32 to index
        %swap3A_59 = arith.constant 32 : index
        %swap3A_60 = tpu.vector_load %arg12[%swap3A_58, %swap3A_59] {strides = array<i32>} : memref<128x64xf32, #tpu.memory_space<vmem>>, vector<1x16xf32>,
        %swap3A_61 = vector.shape_cast %swap3A_60 : vector<1x16xf32> to vector<16xf32>
        %swap3A_62 = vector.shape_cast %mul3A_57 : vector<16xf32> to vector<1x16xf32>
        tpu.vector_store %arg12[%swap3A_58, %swap3A_59], %swap3A_62 {strides = array<i32>} : memref<128x64xf32, #tpu.memory_space<vmem>>, vector<1x16xf32>,
        %get3A_63 = arith.index_cast %scan3A_22 : i32 to index
        %get3A_64 = arith.constant 48 : index
        %get3A_65 = tpu.vector_load %arg12[%get3A_63, %get3A_64] {strides = array<i32>} : memref<128x64xf32, #tpu.memory_space<vmem>>, vector<1x16xf32>,
        %get3A_66 = vector.shape_cast %get3A_65 : vector<1x16xf32> to vector<16xf32>
        %get3A_67 = arith.index_cast %scan3A_22 : i32 to index
        %get3A_68 = arith.constant 48 : index
        %get3A_69 = tpu.vector_load %arg13[%get3A_67, %get3A_68] {strides = array<i32>} : memref<128x64xf32, #tpu.memory_space<vmem>>, vector<1x16xf32>,
        %get3A_70 = vector.shape_cast %get3A_69 : vector<1x16xf32> to vector<16xf32>
        %mul3A_71 = arith.mulf %get3A_66, %get3A_70 : vector<16xf32>
        %swap3A_72 = arith.index_cast %scan3A_22 : i32 to index
        %swap3A_73 = arith.constant 48 : index
        %swap3A_74 = tpu.vector_load %arg12[%swap3A_72, %swap3A_73] {strides = array<i32>} : memref<128x64xf32, #tpu.memory_space<vmem>>, vector<1x16xf32>,
        %swap3A_75 = vector.shape_cast %swap3A_74 : vector<1x16xf32> to vector<16xf32>
        %swap3A_76 = vector.shape_cast %mul3A_71 : vector<16xf32> to vector<1x16xf32>
        tpu.vector_store %arg12[%swap3A_72, %swap3A_73], %swap3A_76 {strides = array<i32>} : memref<128x64xf32, #tpu.memory_space<vmem>>, vector<1x16xf32>,
      }
      %scan3A_21 = arith.constant 128 : i32
      "tpu.region"() ({
        %run_scoped3A = tpu.sem_alloc : memref<!tpu.dma_semaphore, #tpu.memory_space<semaphore_mem>>
        %dma_start3A = arith.constant 0 : i32
        %dma_start3A_22 = arith.constant 0 : i32
        %dma_start3A_23 = tpu.memref_slice %arg9[%dma_start3A, %dma_start3A_22] : memref<10240x64xf32, #tpu.memory_space<vmem_shared>> -> memref<10240x64xf32, #tpu.memory_space<vmem_shared>>
        tpu.enqueue_indirect_dma source(%arg12 : memref<128x64xf32, #tpu.memory_space<vmem>>) target(%dma_start3A_23 : memref<10240x64xf32, #tpu.memory_space<vmem_shared>>) offsets(%arg11 : memref<128xi32, #tpu.memory_space<vmem>>) semaphore(%run_scoped3A : memref<!tpu.dma_semaphore, #tpu.memory_space<semaphore_mem>>) {add = true}
        %dma_wait3A = arith.constant 0 : i32
        %dma_wait3A_24 = arith.constant 0 : i32
        %dma_wait3A_25 = tpu.memref_slice %arg9[%dma_wait3A, %dma_wait3A_24] : memref<10240x64xf32, #tpu.memory_space<vmem_shared>> -> memref<10240x64xf32, #tpu.memory_space<vmem_shared>>
        tpu.wait_indirect_dma semaphore(%run_scoped3A : memref<!tpu.dma_semaphore, #tpu.memory_space<semaphore_mem>>) src(%arg12 : memref<128x64xf32, #tpu.memory_space<vmem>>) dst(%dma_wait3A_25 : memref<10240x64xf32, #tpu.memory_space<vmem_shared>>)
        tpu.yield
      }) : () -> ()
    }
    %scan3A_10 = arith.constant 160 : i32
    %barrier3A_11 = arith.constant 0 : index
    tpu.barrier barrier_id(%barrier3A_11)
    "tpu.region"() ({
      %run_scoped3A = tpu.sem_alloc : memref<!tpu.dma_semaphore, #tpu.memory_space<semaphore_mem>>
      %dma_start3A = tpu.memref_slice %arg7[%multiple_of3A_3, %multiple_of3A] : memref<10240x128xf32, #tpu.memory_space<hbm>> -> memref<640x64xf32, #tpu.memory_space<hbm>>
      %dma_start3A_12 = arith.constant 0 : i32
      %dma_start3A_13 = tpu.memref_slice %arg9[%multiple_of3A_3, %dma_start3A_12] : memref<10240x64xf32, #tpu.memory_space<vmem_shared>> -> memref<640x64xf32, #tpu.memory_space<vmem_shared>>
      tpu.enqueue_dma source(%dma_start3A_13 : memref<640x64xf32, #tpu.memory_space<vmem_shared>>) target(%dma_start3A : memref<640x64xf32, #tpu.memory_space<hbm>>) target_semaphore(%run_scoped3A : memref<!tpu.dma_semaphore, #tpu.memory_space<semaphore_mem>>)
      %dma_wait3A = tpu.memref_slice %arg7[%multiple_of3A_3, %multiple_of3A] : memref<10240x128xf32, #tpu.memory_space<hbm>> -> memref<640x64xf32, #tpu.memory_space<hbm>>
      %dma_wait3A_14 = arith.constant 0 : i32
      %dma_wait3A_15 = tpu.memref_slice %arg9[%multiple_of3A_3, %dma_wait3A_14] : memref<10240x64xf32, #tpu.memory_space<vmem_shared>> -> memref<640x64xf32, #tpu.memory_space<vmem_shared>>
      tpu.wait_dma2 semaphore(%run_scoped3A : memref<!tpu.dma_semaphore, #tpu.memory_space<semaphore_mem>>) src(%dma_wait3A_15 : memref<640x64xf32, #tpu.memory_space<vmem_shared>>) dst(%dma_wait3A : memref<640x64xf32, #tpu.memory_space<hbm>>)
      tpu.yield
    }) : () -> ()
    return
  }
}

module attributes {stable_mosaic.version = 14 : i64} {
  func.func @_hv_body(%arg0: i32, %arg1: memref<2048x128xf32, #tpu.memory_space<vmem>>, %arg2: memref<128x128xf32, #tpu.memory_space<vmem>>, %arg3: memref<1x128xf32, #tpu.memory_space<vmem>>, %arg4: memref<2048x128xf32, #tpu.memory_space<vmem>>) attributes {dimension_semantics = [#tpu.dimension_semantics<arbitrary>], iteration_bounds = array<i64: 5>, scalar_prefetch = 0 : i64, scratch_operands = 0 : i64, tpu.core_type = #tpu.core_type<tc>, window_params = [{transform_indices = @transform_0, window_bounds = array<i64: 2048, 128>}, {pipeline_mode = #tpu.pipeline_mode<synchronous>, transform_indices = @transform_1, window_bounds = array<i64: 128, 128>}, {pipeline_mode = #tpu.pipeline_mode<synchronous>, transform_indices = @transform_2, window_bounds = array<i64: 1, 128>}, {transform_indices = @transform_3, window_bounds = array<i64: 2048, 128>}]} {
    %get3A = arith.constant 0 : index
    %get3A_0 = arith.constant 0 : index
    %get3A_1 = vector.load %arg1[%get3A, %get3A_0] : memref<2048x128xf32, #tpu.memory_space<vmem>>, vector<2048x128xf32>
    %get3A_2 = arith.constant 0 : index
    %get3A_3 = arith.constant 0 : index
    %get3A_4 = vector.load %arg2[%get3A_2, %get3A_3] : memref<128x128xf32, #tpu.memory_space<vmem>>, vector<128x128xf32>
    %dot_general3A = arith.constant dense<0.000000e+00> : vector<2048x128xf32>
    %dot_general3A_5 = tpu.matmul %get3A_1, %get3A_4, %dot_general3A {dimension_numbers = #tpu.dot_dimension_numbers<[1], [0], [0], [1], [0, 0, 1, 1], [], []>, transpose_lhs_hint = false} : vector<2048x128xf32>, vector<128x128xf32>, vector<2048x128xf32> -> vector<2048x128xf32>
    %get3A_6 = arith.constant 0 : index
    %get3A_7 = arith.constant 0 : index
    %get3A_8 = vector.load %arg3[%get3A_6, %get3A_7] : memref<1x128xf32, #tpu.memory_space<vmem>>, vector<1x128xf32>
    %add3A = vector.broadcast %get3A_8 : vector<1x128xf32> to vector<2048x128xf32>
    %add3A_9 = arith.addf %dot_general3A_5, %add3A : vector<2048x128xf32>
    %swap3A = arith.constant 0 : index
    %swap3A_10 = arith.constant 0 : index
    %swap3A_11 = vector.load %arg4[%swap3A, %swap3A_10] : memref<2048x128xf32, #tpu.memory_space<vmem>>, vector<2048x128xf32>
    tpu.vector_store %arg4[%swap3A, %swap3A_10], %add3A_9 {strides = array<i32>} : memref<2048x128xf32, #tpu.memory_space<vmem>>, vector<2048x128xf32>,
    return
  }
  func.func @transform_0(%arg0: i32) -> (i32, i32) {
    %c0_i32 = arith.constant 0 : i32
    %c0_i32_0 = arith.constant 0 : i32
    return %arg0, %c0_i32 : i32, i32
  }
  func.func @transform_1(%arg0: i32) -> (i32, i32) {
    %c0_i32 = arith.constant 0 : i32
    %c0_i32_0 = arith.constant 0 : i32
    %c0_i32_1 = arith.constant 0 : i32
    return %c0_i32, %c0_i32_0 : i32, i32
  }
  func.func @transform_2(%arg0: i32) -> (i32, i32) {
    %c0_i32 = arith.constant 0 : i32
    %c0_i32_0 = arith.constant 0 : i32
    %c0_i32_1 = arith.constant 0 : i32
    return %c0_i32, %c0_i32_0 : i32, i32
  }
  func.func @transform_3(%arg0: i32) -> (i32, i32) {
    %c0_i32 = arith.constant 0 : i32
    %c0_i32_0 = arith.constant 0 : i32
    return %arg0, %c0_i32 : i32, i32
  }
}

module attributes {stable_mosaic.version = 14 : i64} {
  func.func @_he_body(%arg0: i32, %arg1: memref<2048x16xf32, #tpu.memory_space<vmem>>, %arg2: memref<16x128xf32, #tpu.memory_space<vmem>>, %arg3: memref<1x128xf32, #tpu.memory_space<vmem>>, %arg4: memref<128x128xf32, #tpu.memory_space<vmem>>, %arg5: memref<1x128xf32, #tpu.memory_space<vmem>>, %arg6: memref<2048x128xf32, #tpu.memory_space<vmem>>) attributes {dimension_semantics = [#tpu.dimension_semantics<arbitrary>], iteration_bounds = array<i64: 160>, scalar_prefetch = 0 : i64, scratch_operands = 0 : i64, tpu.core_type = #tpu.core_type<tc>, window_params = [{transform_indices = @transform_0, window_bounds = array<i64: 2048, 16>}, {pipeline_mode = #tpu.pipeline_mode<synchronous>, transform_indices = @transform_1, window_bounds = array<i64: 16, 128>}, {pipeline_mode = #tpu.pipeline_mode<synchronous>, transform_indices = @transform_2, window_bounds = array<i64: 1, 128>}, {pipeline_mode = #tpu.pipeline_mode<synchronous>, transform_indices = @transform_3, window_bounds = array<i64: 128, 128>}, {pipeline_mode = #tpu.pipeline_mode<synchronous>, transform_indices = @transform_4, window_bounds = array<i64: 1, 128>}, {transform_indices = @transform_5, window_bounds = array<i64: 2048, 128>}]} {
    %get3A = arith.constant 0 : index
    %get3A_0 = arith.constant 0 : index
    %get3A_1 = vector.load %arg1[%get3A, %get3A_0] : memref<2048x16xf32, #tpu.memory_space<vmem>>, vector<2048x16xf32>
    %get3A_2 = arith.constant 0 : index
    %get3A_3 = arith.constant 0 : index
    %get3A_4 = vector.load %arg2[%get3A_2, %get3A_3] : memref<16x128xf32, #tpu.memory_space<vmem>>, vector<16x128xf32>
    %dot_general3A = arith.constant dense<0.000000e+00> : vector<2048x128xf32>
    %dot_general3A_5 = tpu.matmul %get3A_1, %get3A_4, %dot_general3A {dimension_numbers = #tpu.dot_dimension_numbers<[1], [0], [0], [1], [0, 0, 1, 1], [], []>, transpose_lhs_hint = false} : vector<2048x16xf32>, vector<16x128xf32>, vector<2048x128xf32> -> vector<2048x128xf32>
    %get3A_6 = arith.constant 0 : index
    %get3A_7 = arith.constant 0 : index
    %get3A_8 = vector.load %arg3[%get3A_6, %get3A_7] : memref<1x128xf32, #tpu.memory_space<vmem>>, vector<1x128xf32>
    %add3A = vector.broadcast %get3A_8 : vector<1x128xf32> to vector<2048x128xf32>
    %add3A_9 = arith.addf %dot_general3A_5, %add3A : vector<2048x128xf32>
    %custom_jvp_call3A = arith.constant 0.000000e+00 : f32
    %max3A = vector.broadcast %custom_jvp_call3A : f32 to vector<2048x128xf32>
    %max3A_10 = arith.maximumf %add3A_9, %max3A : vector<2048x128xf32>
    %sub3A = vector.broadcast %custom_jvp_call3A : f32 to vector<2048x128xf32>
    %sub3A_11 = arith.subf %add3A_9, %sub3A : vector<2048x128xf32>
    %ne3A = arith.cmpf one, %sub3A_11, %sub3A_11 : vector<2048x128xf32>
    %add3A_12 = vector.broadcast %custom_jvp_call3A : f32 to vector<2048x128xf32>
    %add3A_13 = arith.addf %add3A_9, %add3A_12 : vector<2048x128xf32>
    %abs3A = math.absf %sub3A_11 : vector<2048x128xf32>
    %neg3A = arith.constant 0.000000e+00 : f32
    %neg3A_14 = vector.broadcast %neg3A : f32 to vector<2048x128xf32>
    %neg3A_15 = arith.subf %neg3A_14, %abs3A : vector<2048x128xf32>
    %exp3A = math.exp %neg3A_15 : vector<2048x128xf32>
    %log1p3A = math.log1p %exp3A : vector<2048x128xf32>
    %add3A_16 = arith.addf %max3A_10, %log1p3A : vector<2048x128xf32>
    %select_n3A = arith.select %ne3A, %add3A_13, %add3A_16 : vector<2048x128xi1>, vector<2048x128xf32>
    %sub3A_17 = arith.constant 0.693147182 : f32
    %sub3A_18 = vector.broadcast %sub3A_17 : f32 to vector<2048x128xf32>
    %sub3A_19 = arith.subf %select_n3A, %sub3A_18 : vector<2048x128xf32>
    %get3A_20 = arith.constant 0 : index
    %get3A_21 = arith.constant 0 : index
    %get3A_22 = vector.load %arg4[%get3A_20, %get3A_21] : memref<128x128xf32, #tpu.memory_space<vmem>>, vector<128x128xf32>
    %dot_general3A_23 = arith.constant dense<0.000000e+00> : vector<2048x128xf32>
    %dot_general3A_24 = tpu.matmul %sub3A_19, %get3A_22, %dot_general3A_23 {dimension_numbers = #tpu.dot_dimension_numbers<[1], [0], [0], [1], [0, 0, 1, 1], [], []>, transpose_lhs_hint = false} : vector<2048x128xf32>, vector<128x128xf32>, vector<2048x128xf32> -> vector<2048x128xf32>
    %get3A_25 = arith.constant 0 : index
    %get3A_26 = arith.constant 0 : index
    %get3A_27 = vector.load %arg5[%get3A_25, %get3A_26] : memref<1x128xf32, #tpu.memory_space<vmem>>, vector<1x128xf32>
    %add3A_28 = vector.broadcast %get3A_27 : vector<1x128xf32> to vector<2048x128xf32>
    %add3A_29 = arith.addf %dot_general3A_24, %add3A_28 : vector<2048x128xf32>
    %custom_jvp_call3A_30 = arith.constant 0.000000e+00 : f32
    %max3A_31 = vector.broadcast %custom_jvp_call3A_30 : f32 to vector<2048x128xf32>
    %max3A_32 = arith.maximumf %add3A_29, %max3A_31 : vector<2048x128xf32>
    %sub3A_33 = vector.broadcast %custom_jvp_call3A_30 : f32 to vector<2048x128xf32>
    %sub3A_34 = arith.subf %add3A_29, %sub3A_33 : vector<2048x128xf32>
    %ne3A_35 = arith.cmpf one, %sub3A_34, %sub3A_34 : vector<2048x128xf32>
    %add3A_36 = vector.broadcast %custom_jvp_call3A_30 : f32 to vector<2048x128xf32>
    %add3A_37 = arith.addf %add3A_29, %add3A_36 : vector<2048x128xf32>
    %abs3A_38 = math.absf %sub3A_34 : vector<2048x128xf32>
    %neg3A_39 = arith.constant 0.000000e+00 : f32
    %neg3A_40 = vector.broadcast %neg3A_39 : f32 to vector<2048x128xf32>
    %neg3A_41 = arith.subf %neg3A_40, %abs3A_38 : vector<2048x128xf32>
    %exp3A_42 = math.exp %neg3A_41 : vector<2048x128xf32>
    %log1p3A_43 = math.log1p %exp3A_42 : vector<2048x128xf32>
    %add3A_44 = arith.addf %max3A_32, %log1p3A_43 : vector<2048x128xf32>
    %select_n3A_45 = arith.select %ne3A_35, %add3A_37, %add3A_44 : vector<2048x128xi1>, vector<2048x128xf32>
    %sub3A_46 = arith.constant 0.693147182 : f32
    %sub3A_47 = vector.broadcast %sub3A_46 : f32 to vector<2048x128xf32>
    %sub3A_48 = arith.subf %select_n3A_45, %sub3A_47 : vector<2048x128xf32>
    %mul3A = arith.constant 2048 : i32
    %mul3A_49 = arith.muli %arg0, %mul3A : i32
    %iota3A = tpu.iota {dimensions = array<i32: 0>} : vector<2048x1xi32>
    %add3A_50 = vector.broadcast %mul3A_49 : i32 to vector<2048x1xi32>
    %add3A_51 = arith.addi %add3A_50, %iota3A : vector<2048x1xi32>
    %lt3A = arith.constant 320000 : i32
    %lt3A_52 = vector.broadcast %lt3A : i32 to vector<2048x1xi32>
    %lt3A_53 = arith.cmpi slt, %add3A_51, %lt3A_52 : vector<2048x1xi32>
    %jit3A = arith.constant 0.000000e+00 : f32
    %broadcast_in_dim3A = vector.shape_cast %lt3A_53 : vector<2048x1xi1> to vector<2048x1xi1>
    %broadcast_in_dim3A_54 = vector.broadcast %broadcast_in_dim3A : vector<2048x1xi1> to vector<2048x128xi1>
    %broadcast_in_dim3A_55 = vector.broadcast %jit3A : f32 to vector<2048x128xf32>
    %select_n3A_56 = arith.select %broadcast_in_dim3A_54, %sub3A_48, %broadcast_in_dim3A_55 : vector<2048x128xi1>, vector<2048x128xf32>
    %swap3A = arith.constant 0 : index
    %swap3A_57 = arith.constant 0 : index
    %swap3A_58 = vector.load %arg6[%swap3A, %swap3A_57] : memref<2048x128xf32, #tpu.memory_space<vmem>>, vector<2048x128xf32>
    tpu.vector_store %arg6[%swap3A, %swap3A_57], %select_n3A_56 {strides = array<i32>} : memref<2048x128xf32, #tpu.memory_space<vmem>>, vector<2048x128xf32>,
    return
  }
  func.func @transform_0(%arg0: i32) -> (i32, i32) {
    %min3A = arith.constant 156 : i32
    %min3A_0 = arith.minsi %arg0, %min3A : i32
    %c0_i32 = arith.constant 0 : i32
    %c0_i32_1 = arith.constant 0 : i32
    return %min3A_0, %c0_i32 : i32, i32
  }
  func.func @transform_1(%arg0: i32) -> (i32, i32) {
    %c0_i32 = arith.constant 0 : i32
    %c0_i32_0 = arith.constant 0 : i32
    %c0_i32_1 = arith.constant 0 : i32
    return %c0_i32, %c0_i32_0 : i32, i32
  }
  func.func @transform_2(%arg0: i32) -> (i32, i32) {
    %c0_i32 = arith.constant 0 : i32
    %c0_i32_0 = arith.constant 0 : i32
    %c0_i32_1 = arith.constant 0 : i32
    return %c0_i32, %c0_i32_0 : i32, i32
  }
  func.func @transform_3(%arg0: i32) -> (i32, i32) {
    %c0_i32 = arith.constant 0 : i32
    %c0_i32_0 = arith.constant 0 : i32
    %c0_i32_1 = arith.constant 0 : i32
    return %c0_i32, %c0_i32_0 : i32, i32
  }
  func.func @transform_4(%arg0: i32) -> (i32, i32) {
    %c0_i32 = arith.constant 0 : i32
    %c0_i32_0 = arith.constant 0 : i32
    %c0_i32_1 = arith.constant 0 : i32
    return %c0_i32, %c0_i32_0 : i32, i32
  }
  func.func @transform_5(%arg0: i32) -> (i32, i32) {
    %c0_i32 = arith.constant 0 : i32
    %c0_i32_0 = arith.constant 0 : i32
    return %arg0, %c0_i32 : i32, i32
  }
}

module attributes {stable_mosaic.version = 14 : i64} {
  func.func @_out_body(%arg0: i32, %arg1: memref<2000x128xf32, #tpu.memory_space<vmem>>, %arg2: memref<128x128xf32, #tpu.memory_space<vmem>>, %arg3: memref<1x128xf32, #tpu.memory_space<vmem>>, %arg4: memref<128x128xf32, #tpu.memory_space<vmem>>, %arg5: memref<1x128xf32, #tpu.memory_space<vmem>>, %arg6: memref<2000x128xf32, #tpu.memory_space<vmem>>) attributes {dimension_semantics = [#tpu.dimension_semantics<arbitrary>], iteration_bounds = array<i64: 5>, scalar_prefetch = 0 : i64, scratch_operands = 0 : i64, tpu.core_type = #tpu.core_type<tc>, window_params = [{transform_indices = @transform_0, window_bounds = array<i64: 2000, 128>}, {pipeline_mode = #tpu.pipeline_mode<synchronous>, transform_indices = @transform_1, window_bounds = array<i64: 128, 128>}, {pipeline_mode = #tpu.pipeline_mode<synchronous>, transform_indices = @transform_2, window_bounds = array<i64: 1, 128>}, {pipeline_mode = #tpu.pipeline_mode<synchronous>, transform_indices = @transform_3, window_bounds = array<i64: 128, 128>}, {pipeline_mode = #tpu.pipeline_mode<synchronous>, transform_indices = @transform_4, window_bounds = array<i64: 1, 128>}, {transform_indices = @transform_5, window_bounds = array<i64: 2000, 128>}]} {
    %get3A = arith.constant 0 : index
    %get3A_0 = arith.constant 0 : index
    %get3A_1 = vector.load %arg1[%get3A, %get3A_0] : memref<2000x128xf32, #tpu.memory_space<vmem>>, vector<2000x128xf32>
    %get3A_2 = arith.constant 0 : index
    %get3A_3 = arith.constant 0 : index
    %get3A_4 = vector.load %arg2[%get3A_2, %get3A_3] : memref<128x128xf32, #tpu.memory_space<vmem>>, vector<128x128xf32>
    %dot_general3A = arith.constant dense<0.000000e+00> : vector<2000x128xf32>
    %dot_general3A_5 = tpu.matmul %get3A_1, %get3A_4, %dot_general3A {dimension_numbers = #tpu.dot_dimension_numbers<[1], [0], [0], [1], [0, 0, 1, 1], [], []>, transpose_lhs_hint = false} : vector<2000x128xf32>, vector<128x128xf32>, vector<2000x128xf32> -> vector<2000x128xf32>
    %get3A_6 = arith.constant 0 : index
    %get3A_7 = arith.constant 0 : index
    %get3A_8 = vector.load %arg3[%get3A_6, %get3A_7] : memref<1x128xf32, #tpu.memory_space<vmem>>, vector<1x128xf32>
    %add3A = vector.broadcast %get3A_8 : vector<1x128xf32> to vector<2000x128xf32>
    %add3A_9 = arith.addf %dot_general3A_5, %add3A : vector<2000x128xf32>
    %custom_jvp_call3A = arith.constant 0.000000e+00 : f32
    %max3A = vector.broadcast %custom_jvp_call3A : f32 to vector<2000x128xf32>
    %max3A_10 = arith.maximumf %add3A_9, %max3A : vector<2000x128xf32>
    %sub3A = vector.broadcast %custom_jvp_call3A : f32 to vector<2000x128xf32>
    %sub3A_11 = arith.subf %add3A_9, %sub3A : vector<2000x128xf32>
    %ne3A = arith.cmpf one, %sub3A_11, %sub3A_11 : vector<2000x128xf32>
    %add3A_12 = vector.broadcast %custom_jvp_call3A : f32 to vector<2000x128xf32>
    %add3A_13 = arith.addf %add3A_9, %add3A_12 : vector<2000x128xf32>
    %abs3A = math.absf %sub3A_11 : vector<2000x128xf32>
    %neg3A = arith.constant 0.000000e+00 : f32
    %neg3A_14 = vector.broadcast %neg3A : f32 to vector<2000x128xf32>
    %neg3A_15 = arith.subf %neg3A_14, %abs3A : vector<2000x128xf32>
    %exp3A = math.exp %neg3A_15 : vector<2000x128xf32>
    %log1p3A = math.log1p %exp3A : vector<2000x128xf32>
    %add3A_16 = arith.addf %max3A_10, %log1p3A : vector<2000x128xf32>
    %select_n3A = arith.select %ne3A, %add3A_13, %add3A_16 : vector<2000x128xi1>, vector<2000x128xf32>
    %sub3A_17 = arith.constant 0.693147182 : f32
    %sub3A_18 = vector.broadcast %sub3A_17 : f32 to vector<2000x128xf32>
    %sub3A_19 = arith.subf %select_n3A, %sub3A_18 : vector<2000x128xf32>
    %get3A_20 = arith.constant 0 : index
    %get3A_21 = arith.constant 0 : index
    %get3A_22 = vector.load %arg4[%get3A_20, %get3A_21] : memref<128x128xf32, #tpu.memory_space<vmem>>, vector<128x128xf32>
    %dot_general3A_23 = arith.constant dense<0.000000e+00> : vector<2000x128xf32>
    %dot_general3A_24 = tpu.matmul %sub3A_19, %get3A_22, %dot_general3A_23 {dimension_numbers = #tpu.dot_dimension_numbers<[1], [0], [0], [1], [0, 0, 1, 1], [], []>, transpose_lhs_hint = false} : vector<2000x128xf32>, vector<128x128xf32>, vector<2000x128xf32> -> vector<2000x128xf32>
    %get3A_25 = arith.constant 0 : index
    %get3A_26 = arith.constant 0 : index
    %get3A_27 = vector.load %arg5[%get3A_25, %get3A_26] : memref<1x128xf32, #tpu.memory_space<vmem>>, vector<1x128xf32>
    %add3A_28 = vector.broadcast %get3A_27 : vector<1x128xf32> to vector<2000x128xf32>
    %add3A_29 = arith.addf %dot_general3A_24, %add3A_28 : vector<2000x128xf32>
    %swap3A = arith.constant 0 : index
    %swap3A_30 = arith.constant 0 : index
    %swap3A_31 = vector.load %arg6[%swap3A, %swap3A_30] : memref<2000x128xf32, #tpu.memory_space<vmem>>, vector<2000x128xf32>
    tpu.vector_store %arg6[%swap3A, %swap3A_30], %add3A_29 {strides = array<i32>} : memref<2000x128xf32, #tpu.memory_space<vmem>>, vector<2000x128xf32>,
    return
  }
  func.func @transform_0(%arg0: i32) -> (i32, i32) {
    %c0_i32 = arith.constant 0 : i32
    %c0_i32_0 = arith.constant 0 : i32
    return %arg0, %c0_i32 : i32, i32
  }
  func.func @transform_1(%arg0: i32) -> (i32, i32) {
    %c0_i32 = arith.constant 0 : i32
    %c0_i32_0 = arith.constant 0 : i32
    %c0_i32_1 = arith.constant 0 : i32
    return %c0_i32, %c0_i32_0 : i32, i32
  }
  func.func @transform_2(%arg0: i32) -> (i32, i32) {
    %c0_i32 = arith.constant 0 : i32
    %c0_i32_0 = arith.constant 0 : i32
    %c0_i32_1 = arith.constant 0 : i32
    return %c0_i32, %c0_i32_0 : i32, i32
  }
  func.func @transform_3(%arg0: i32) -> (i32, i32) {
    %c0_i32 = arith.constant 0 : i32
    %c0_i32_0 = arith.constant 0 : i32
    %c0_i32_1 = arith.constant 0 : i32
    return %c0_i32, %c0_i32_0 : i32, i32
  }
  func.func @transform_4(%arg0: i32) -> (i32, i32) {
    %c0_i32 = arith.constant 0 : i32
    %c0_i32_0 = arith.constant 0 : i32
    %c0_i32_1 = arith.constant 0 : i32
    return %c0_i32, %c0_i32_0 : i32, i32
  }
  func.func @transform_5(%arg0: i32) -> (i32, i32) {
    %c0_i32 = arith.constant 0 : i32
    %c0_i32_0 = arith.constant 0 : i32
    return %arg0, %c0_i32 : i32, i32
  }
}

</mosaic_0001>

<sc_bundles>
// kernel: kernel.6.cloned.1.call-start
scs
__scs_entry_jumppad:
0x0: {  	(pc) =	sbr.rel $0x88, $3  }
0x1: {  	(tag) =	ssettag $0x0;
	lr =	simm.s32 $0x1  }
0x2: {  	[smem:$0x3F94] =	sst lr;
	_ =	strace $0xD0000000  }
0x3: {  	_ = 	snop  }
0x4: {  	_ = 	snop  }
0x5: {  	_ = 	snop  }
0x6: {  	_ = 	snop  }
0x7: {  	_ = 	snop  }
__scs_overlays_trampoline_lowered:
0x8: {  	[smem:$0x3FA3] =	sst s0  }
0x9: {  	[smem:$0x3FA4] =	sst s1  }
0xa: {  	[smem:$0x3FA5] =	sst s2  }
0xb: {  	[smem:$0x3FA6] =	sst s3  }
0xc: {  	[smem:$0x3FA7] =	sst s4  }
0xd: {  	[smem:$0x3FA8] =	sst s5  }
0xe: {  	[smem:$0x3FA9] =	sst s6  }
0xf: {  	[smem:$0x3FAA] =	sst s7  }
0x10: {  	[smem:$0x3FAB] =	sst s8  }
0x11: {  	[smem:$0x3FAC] =	sst s9;
	s0 =	simm.s32 @!p0 $0x0  }
0x12: {  	s1 =	sld [smem:$0x3F92];
	s0 =	simm.s32 @p0 $0x1  }
0x13: {  	[smem:$0x3FAD] =	sst s0;
	s0 =	simm.s32 @!p1 $0x0  }
0x14: {  	s2 =	sld [smem:$0x3F91];
	s0 =	simm.s32 @p1 $0x1  }
0x15: {  	[smem:$0x3FAE] =	sst s0;
	s0 =	simm.s32 @!p2 $0x0  }
0x16: {  	s3 =	sld [smem:$0x3FDB];
	s0 =	simm.s32 @p2 $0x1  }
0x17: {  	s4 =	simm.s32 $0x1BF5;
	[smem:$0x3FB0] =	sst s0  }
0x18: {  	s0 =	sld [smem:$0x3F93];
	_ =	swait.ge [sflag:s4], $0x0  }
0x19: {  	s7 =	sld [smem:$0x3F94]  }
0x1a: {  	s8 =	sadd.s32 $0xFFFFE003, lr  }
0x1b: {  	s9 =	sadd.s32 $0xFFFFFEF7, lr;
	s5 =	simm.s32 $0xFFFFFFFF;
	p2 =	slt.u32 s8, $0xFFFFF086  }
0x1c: {  	p1 =	slt.u32 s9, $0xF7A;
	s5 =	simm.s32 @!p2 $0x0  }
0x1d: {  	s5 =	simm.s32 @p1 $0x1;
	p0 =	seq.s32 s7, s2  }
0x1e: {  	s7 =	smul.u32 @!p0 $0xF7A, s2;
	p2 =	seq.s32 @!p0 s5, $0x0  }
0x1f: {  	s9 =	smul.u32 $0xF7A, s1;
	s8 =	simm.s32 @!p0 $0x1BF5;
	p2 =	por !p2, p0  }
0x20: {  	[sflag:s8] =	ssyncset.s32 @!p0 $0xFFFFF086;
	s6 =	sadd.s32 @!p0 s3, s7;
	s7 =	simm.s32 @!p0 $0x108  }
0x21: {  	s3 =	sadd.s32 s3, s9;
	s6 =	sadd.s32 @!p0 $0x88, s6;
	s7 =	simm.s32 @p2 $0x1082  }
0x22: {  	[simem:s7], [sflag:s8] =	dma.local @!p0 [hbm:s6], $0xF7A  }
0x23: {  	s9 =	sor.u32 $0xD0000000, s2;
	s6 =	simm.s32 $0x108;
	_ =	swait.ge @!p0 [sflag:s8], $0x0  }
0x24: {  	s3 =	sadd.s32 $0x88, s3;
	s6 =	simm.s32 @!p1 $0x1082;
	[sflag:s4] =	ssyncset.s32 $0xFFFFF086  }
0x25: {  	[simem:s6], [sflag:s4] =	dma.local [hbm:s3], $0xF7A  }
0x26: {  	[smem:$0x3F94] =	sst s1;
	(tag) =	ssettag s2;
	_ =	strace s9  }
0x27: {  	s1 =	sld [smem:$0x3FA4]  }
0x28: {  	s2 =	sld [smem:$0x3FA5]  }
0x29: {  	s4 =	sld [smem:$0x3FA7]  }
0x2a: {  	p0 =	seq.s32 s5, $0x0;
	s5 =	sld [smem:$0x3FA8]  }
0x2b: {  	s6 =	sld [smem:$0x3FA9]  }
0x2c: {  	s7 =	sld [smem:$0x3FAA]  }
0x2d: {  	s3 =	simm.s32 $0x108;
	s8 =	sld [smem:$0x3FAB]  }
0x2e: {  	s3 =	simm.s32 @!p0 $0x1082;
	s9 =	sld [smem:$0x3FAC]  }
0x2f: {  	lr =	sadd.s32 s0, s3;
	s0 =	sld [smem:$0x3FA3]  }
0x30: {  	s3 =	sld [smem:$0x3FA6]  }
0x31: {  	[smem:$0x3FAF] =	sst s10  }
0x32: {  	s10 =	sld [smem:$0x3FAD];
	_ =	sdelay $0x3  }
0x33: {  	p0 =	seq.s32 s10, $0x1;
	s10 =	sld [smem:$0x3FAF];
	_ =	sdelay $0x3  }
0x34: {  	[smem:$0x3FAF] =	sst s10  }
0x35: {  	s10 =	sld [smem:$0x3FAE];
	_ =	sdelay $0x3  }
0x36: {  	p1 =	seq.s32 s10, $0x1;
	s10 =	sld [smem:$0x3FAF];
	_ =	sdelay $0x3  }
0x37: {  	[smem:$0x3FAF] =	sst s10  }
0x38: {  	s10 =	sld [smem:$0x3FB0]  }
0x39: {  	_ = 	snop;
	(pc) =	sbr.ind lr, $3  }
0x3a: {  	_ = 	snop  }
0x3b: {  	_ = 	snop  }
0x3c: {  	p2 =	seq.s32 s10, $0x1;
	s10 =	sld [smem:$0x3FAF]  }
0x3d: {  	_ =	shalt  }
0x3e: {  	_ =	shalt  }
0x3f: {  	_ =	shalt  }
0x40: {  	_ =	shalt  }
0x41: {  	_ =	shalt  }
0x42: {  	_ =	shalt  }
0x43: {  	_ =	shalt  }
0x44: {  	_ =	shalt  }
0x45: {  	_ =	shalt  }
0x46: {  	_ =	shalt  }
0x47: {  	_ =	shalt  }
0x48: {  	_ =	shalt  }
0x49: {  	_ =	shalt  }
0x4a: {  	_ =	shalt  }
0x4b: {  	_ =	shalt  }
0x4c: {  	_ =	shalt  }
0x4d: {  	_ =	shalt  }
0x4e: {  	_ =	shalt  }
0x4f: {  	_ =	shalt  }
0x50: {  	_ =	shalt  }
0x51: {  	_ =	shalt  }
0x52: {  	_ =	shalt  }
0x53: {  	_ =	shalt  }
0x54: {  	_ =	shalt  }
0x55: {  	_ =	shalt  }
0x56: {  	_ =	shalt  }
0x57: {  	_ =	shalt  }
0x58: {  	_ =	shalt  }
0x59: {  	_ =	shalt  }
0x5a: {  	_ =	shalt  }
0x5b: {  	_ =	shalt  }
0x5c: {  	_ =	shalt  }
0x5d: {  	_ =	shalt  }
0x5e: {  	_ =	shalt  }
0x5f: {  	_ =	shalt  }
0x60: {  	_ =	shalt  }
0x61: {  	_ =	shalt  }
0x62: {  	_ =	shalt  }
0x63: {  	_ =	shalt  }
0x64: {  	_ =	shalt  }
0x65: {  	_ =	shalt  }
0x66: {  	_ =	shalt  }
0x67: {  	_ =	shalt  }
0x68: {  	_ =	shalt  }
0x69: {  	_ =	shalt  }
0x6a: {  	_ =	shalt  }
0x6b: {  	_ =	shalt  }
0x6c: {  	_ =	shalt  }
0x6d: {  	_ =	shalt  }
0x6e: {  	_ =	shalt  }
0x6f: {  	_ =	shalt  }
0x70: {  	_ =	shalt  }
0x71: {  	_ =	shalt  }
0x72: {  	_ =	shalt  }
0x73: {  	_ =	shalt  }
0x74: {  	_ =	shalt  }
0x75: {  	_ =	shalt  }
0x76: {  	_ =	shalt  }
0x77: {  	_ =	shalt  }
0x78: {  	_ =	shalt  }
0x79: {  	_ =	shalt  }
0x7a: {  	_ =	shalt  }
0x7b: {  	_ =	shalt  }
0x7c: {  	_ =	shalt  }
0x7d: {  	_ =	shalt  }
0x7e: {  	_ =	shalt  }
0x7f: {  	_ =	shalt  }
0x80: {  	_ =	shalt  }
0x81: {  	_ =	shalt  }
0x82: {  	_ =	shalt  }
0x83: {  	_ =	shalt  }
0x84: {  	_ =	shalt  }
0x85: {  	_ =	shalt  }
0x86: {  	_ =	shalt  }
0x87: {  	_ =	shalt  }
.Lfunc_end0:
.L_simem_size_0:
called_computation_lowered:
.L_overlay_start_0:
0x88: {  	s2 =	sld [smem:$0x3FD9]  }
0x89: {  	s3 =	sld [smem:$0x3FFE];
	_ =	sdelay $0x1  }
0x8a: {  	s1 =	srdreg.scid  }
0x8b: {  	s0 =	sand.u32 $0x1, s1  }
0x8c: {  	s17 =	sshll.u32 s0, $0xA;
	s2 =	sadd.s32 s3, s2  }
0x8d: {  	s2 =	sadd.s32 s2, s17  }
0x8e: {  	[smem:$0x3FBB] =	sst s2  }
0x8f: {  	_ = 	snop  }
0x90: {  	s2 =	sld [smem:$0x3FD0];
	(tm) =	ssettm $0x1  }
0x91: {  	s18 =	sld [smem:$0x3FFB];
	_ =	sdelay $0x3  }
0x92: {  	_ =	strace s18  }
0x93: {  	s3 =	sld [smem:$0x3FFC];
	_ =	sdelay $0x3  }
0x94: {  	_ =	strace s3  }
0x95: {  	s3 =	sld [smem:$0x3FFD];
	_ =	sdelay $0x3  }
0x96: {  	_ =	strace s3  }
0x97: {  	_ =	strace $0x8FFFFFFF  }
0x98: {  	s19 =	sld [smem:$0x3FDB];
	_ =	sdelay $0x1  }
0x99: {  	s4 =	simm.s32 $_scs_section_size  }
0x9a: {  	s5 =	simm.s32 $_size__tile_overlayer_lowered;
	s6 =	simm.s32 $_tile_overlayer_lowered  }
0x9b: {  	s22 =	simm.s32 $0x1BFF;
	s21 =	sshll.u32 s6, $0x1;
	s3 =	sadd.s32 s4, s19  }
0x9c: {  	s7 =	simm.s32 $0x0;
	s20 =	sshll.u32 s5, $0x1;
	s5 =	sadd.s32 s21, s3  }
0x9d: {  	[timem:s7], [sflag:s22] =	dma.local [hbm:s5], s20  }
0x9e: {  	_ =	swait.ge [sflag:s22], s20  }
0x9f: {  	s4 =	ssub.s32 $0x0, s20;
	[sflag:s22] =	ssyncset.done $0x0  }
0xa0: {  	[sflag:s22] =	ssyncadd.s32 s4;
	_ =	sdelay $0x1  }
0xa1: {  	s23 =	simm.s32 $0x1B8B  }
0xa2: {  	_ =	swait.ge [sflag:s23], $0x1  }
0xa3: {  	[sflag:s23] =	ssyncset.done $0x0  }
0xa4: {  	s25 =	simm.s32 $0x1B8E;
	s24 =	sld [smem:$0x3FFE];
	[sflag:s23] =	ssyncadd.s32 $0xFFFFFFFF  }
0xa5: {  	s26 =	simm.s32 $execute0_lowered;
	[smem:$0x3FD2] =	sst s25  }
0xa6: {  	s5 =	sshll.u32 s26, $0x1;
	_ =	strace $0x80000046;
	[dreg:$0x1] =	wrdreg $0xFFFFFFFF  }
0xa7: {  	s28 =	simm.s32 $_size_execute0_lowered;
	s3 =	sadd.s32 s3, s5;
	[dreg:$0x0] =	wrdreg $0x0  }
0xa8: {  	s5 =	sshll.u32 s28, $0x1;
	[dreg:$0x2] =	wrdreg s3  }
0xa9: {  	[dreg:$0x3] =	wrdreg s5  }
0xaa: {  	[dreg:$0x4] =	wrdreg $0xC0  }
0xab: {  	_ =	task [dreg:s7], $0x5FFFF  }
0xac: {  	[dreg:$0x1] =	wrdreg $0xFFFFFFFF  }
0xad: {  	[dreg:$0x0] =	wrdreg $0x60  }
0xae: {  	[dreg:$0x2] =	wrdreg s24  }
0xaf: {  	[dreg:$0x3] =	wrdreg s2  }
0xb0: {  	[dreg:$0x4] =	wrdreg $0x0  }
0xb1: {  	[dreg:$0x5] =	wrdreg $0xA0000  }
0xb2: {  	[dreg:$0x6] =	wrdreg $0x9  }
0xb3: {  	_ =	task.clear_ibuf [dreg:s7], $0x7FFFF;
	_ =	strace $0x90000046  }
0xb4: {  	s29 =	simm.s32 $0x9;
	_ =	strace $0x80000048  }
0xb5: {  	_ =	swait.ge [sflag:s29], $0x1  }
0xb6: {  	[sflag:s29] =	ssyncadd.s32 $0xFFFFFFFF  }
0xb7: {  	_ =	strace $0x90000048  }
0xb8: {  	_ =	sfence  }
0xb9: {  	s30 =	sld [smem:$0x0];
	_ =	sdelay $0x2  }
0xba: {  	s31 =	sshll.u32 s1, $0xD;
	s1 =	sshrl.u32 s1, $0x2  }
0xbb: {  	s3 =	sand.u32 $0x4000, s31;
	s1 =	sadd.s32 s1, s30  }
0xbc: {  	s0 =	sor.u32 s3, s0;
	s1 =	sshll.u32 s1, $0x11  }
0xbd: {  	s0 =	sor.u32 s1, s0  }
0xbe: {  	s0 =	sadd.s32 $0x8F2B, s0  }
0xbf: {  	[sflag:s0] =	ssyncadd.remote.s32 $0x1  }
0xc0: {  	_ =	sfence.sel $0xFFFF  }
0xc1: {  	[dreg:$0x0] =	wrdreg $0xFFFFFFFF;
	(pc) =	sbr.abs _section_cstart, $3  }
0xc2: {  	[dreg:$0x1] =	wrdreg $0xFFFFFFFF  }
0xc3: {  	_ =	task.clear_ibuf [dreg:s7], $0x2FFFF;
	_ =	strace $0x9FFFFFFF  }
0xc4: {  	(tm) =	ssettm $0x7FFFFFFF  }
0xc5: {  	_ =	shalt  }
tec
execute0_lowered:
.L_overlay_start_1:
0x0: {  	(tag) =	ssettag $0x1  }
0x1: {  	s10 =	rddreg [dreg:$0x0]  }
0x2: {  	s1 =	rddreg [dreg:$0x1]  }
0x3: {  	s2 =	rddreg [dreg:$0x2]  }
0x4: {  	s3 =	rddreg [dreg:$0x3]  }
0x5: {  	s0 =	rddreg [dreg:$0x4];
	s5 =	simm.s32 $0x0;
	s6 =	srdreg.scid  }
0x6: {  	s4 =	stileid.u32;
	s18 =	simm.s32 $0x10;
	s20 =	simm.s32 $0x14000  }
0x7: {  	s21 =	simm.s32 $0x14080;
	s22 =	simm.s32 $0x40;
	s23 =	simm.s32 $0x80  }
0x8: {  	s24 =	simm.s32 $0x16100;
	s25 =	simm.s32 $0x14100;
	s31 =	simm.s32 $0x0  }
0x9: {  	[smem:$0x7FF] =	sst s5;
	s11 =	sand.u32 $0x1, s6;
	s12 =	smul.u32 $0x14000, s4  }
0xa: {  	s6 =	sadd.s32 $0x515C00, s10;
	s7 =	sadd.s32 $0x1C00, s10;
	s9 =	sadd.s32 $0xBC00, s10  }
0xb: {  	s14 =	smul.u32 $0xA000, s4;
	s30 =	sshll.u32 s4, $0x6;
	s8 =	sshll.u32 s11, $0x6  }
0xc: {  	_ =	strace $0x80000047;
	s11 =	ssub.s32 $0x2, s11;
	s12 =	sor.u32 s8, s12  }
0xd: {  	s13 =	sshrl.u32 s11, $0x1;
	s17 =	sadd.s32 s14, s2;
	s19 =	sadd.s32 s14, s3  }
0xe: {  	s12 =	sshrl.u32 s12, $0x3;
	s16 =	ssub.s32 s11, s13;
	s11 =	sor.u32 $0x1C01, s30  }
0xf: {  	s19 =	sshrl.u32 s19, $0x3;
	s15 =	sadd.s32 s12, s10;
	s12 =	smul.u32 $0x5000, s4  }
0x10: {  	s14 =	smax.u32 s16, $0x1;
	s16 =	simm.s32 $0x1;
	s10 =	sadd.s32 $0x4EDC00, s15  }
0x11: {  	s13 =	sadd.s32 $0xD000, s15;
	s15 =	sshrl.u32 s17, $0x3;
	s17 =	simm.s32 $0x8  }
.LBB2_1:
0x12: {  	[spmem:s15@s17], [sflag:s11] =	dma.strided [hbm:s10@s18], $0x1400, s16, $0x8   }
0x13: {  	_ =	swait.ge [sflag:s16], $0x1400  }
0x14: {  	[sflag:s16] =	ssyncset.done $0x0  }
0x15: {  	[sflag:s16] =	ssyncadd.s32 $0xFFFFEC00  }
0x16: {  	[spmem:s19], [sflag:s11] =	dma.local [hbm:s9], $0x1400  }
0x17: {  	_ =	swait.ge [sflag:s16], $0x1400  }
0x18: {  	[sflag:s16] =	ssyncset.done $0x0  }
0x19: {  	[sflag:s16] =	ssyncadd.s32 $0xFFFFEC00  }
0x1a: {  	s26 =	simm.s32 $0x0;
	[bflag:$0x0] =	sbarrier.arrive $0xFFFF  }
.LBB2_2:
0x1b: {  	s28 =	sshll.u32 s26, $0x7  }
0x1c: {  	s28 =	sadd.s32 s12, s28  }
0x1d: {  	s29 =	sshrl.u32 s28, $0x3  }
0x1e: {  	s30 =	sadd.s32 s1, s29  }
0x1f: {  	[tilespmem:s20], [sflag:$0x1] =	stream.linear.gather [hbm4b:s30+s31], $0x80, $0x38;
	[tilespmem:$0x18100] =	vst v63  }
0x20: {  	_ =	swait.ge [sflag:s16], $0x80  }
0x21: {  	[sflag:s16] =	ssyncset.done $0x0  }
0x22: {  	s28 =	sshll.u32 s28, $0x7;
	s29 =	sadd.s32 s7, s29;
	[sflag:s16] =	ssyncadd.s32 $0xFFFFFF80  }
0x23: {  	[tilespmem:s21], [sflag:$0x1] =	stream.linear.gather [hbm4b:s29+s31], $0x80, $0x38;
	[tilespmem:$0x18100] =	vst v63  }
0x24: {  	s28 =	sor.u32 s8, s28;
	_ =	swait.ge [sflag:s16], $0x80  }
0x25: {  	s28 =	sshrl.u32 s28, $0x3;
	[sflag:s16] =	ssyncset.done $0x0  }
0x26: {  	s28 =	sadd.s32 s6, s28;
	[sflag:s16] =	ssyncadd.s32 $0xFFFFFF80  }
0x27: {  	[tilespmem:s24], [sflag:$0x1] =	stream.strided.gather [hbm4b:s28+s22], $0x2000, s23, s22, $0x38;
	[tilespmem:$0x18100] =	vst v63  }
0x28: {  	_ =	swait.ge [sflag:s16], $0x2000  }
0x29: {  	[sflag:s16] =	ssyncset.done $0x0  }
0x2a: {  	[sflag:s16] =	ssyncadd.s32 $0xFFFFE000  }
0x2b: {  	[tilespmem:s25], [sflag:$0x1] =	stream.indirect.gather [spmem:s2], $0x40, s20, s23, $0xb8;
	[tilespmem:$0x18100] =	vst v63  }
0x2c: {  	_ =	swait.ge [sflag:s16], $0x2000  }
0x2d: {  	[sflag:s16] =	ssyncset.done $0x0  }
0x2e: {  	s28 =	simm.s32 $0x0;
	[sflag:s16] =	ssyncadd.s32 $0xFFFFE000  }
0x2f: {  	v5 =	vld [tilespmem:s28+$0x16100]  }
0x30: {  	v6 =	vld [tilespmem:s28+$0x16110]  }
0x31: {  	v1 =	vld [tilespmem:s28+$0x16120]  }
0x32: {  	v0 =	vld [tilespmem:s28+$0x16130]  }
0x33: {  	v2 =	vld [tilespmem:s28+$0x14100]  }
0x34: {  	v4 =	vld [tilespmem:s28+$0x14110]  }
0x35: {  	s29 =	simm.s32 $0x100;
	v3 =	vld [tilespmem:s28+$0x14120]  }
.LBB2_3:
0x36: {  	s30 =	sshra.s32 s29, $0x2;
	p0 =	sne.s32 s29, $0x7F00;
	v7 =	vld [tilespmem:s28+$0x14130];
	v8 =	vmov v1  }
0x37: {  	v9 =	vld [tilespmem:s30+$0x16100];
	v10 =	vmov v0  }
0x38: {  	v11 =	vld [tilespmem:s30+$0x16110];
	v2 =	vmul.f32 v5, v2  }
.Ltmp0:
0x39: {  	v1 =	vld [tilespmem:s30+$0x16120];
	v4 =	vmul.f32 v6, v4;
	(pc) =	sbr.rel @p0 .LBB2_3-.Ltmp0, $4  }
0x3a: {  	v0 =	vld [tilespmem:s30+$0x16130];
	[tilespmem:s28+$0x14100] =	vst v2;
	v3 =	vmul.f32 v8, v3  }
0x3b: {  	v2 =	vld [tilespmem:s30+$0x14100];
	[tilespmem:s28+$0x14110] =	vst v4;
	v7 =	vmul.f32 v10, v7  }
0x3c: {  	v4 =	vld [tilespmem:s30+$0x14110];
	[tilespmem:s28+$0x14120] =	vst v3;
	v5 =	vmov v9  }
0x3d: {  	s29 =	sadd.s32 $0x100, s29;
	v3 =	vld [tilespmem:s30+$0x14120];
	[tilespmem:s28+$0x14130] =	vst v7;
	v6 =	vmov v11;
	s28 =	smov.u32 s30  }
0x3e: {  	v7 =	vld [tilespmem:s28+$0x14130];
	_ =	sdelay $0x1  }
0x3f: {  	v2 =	vmul.f32 v5, v2  }
0x40: {  	v4 =	vmul.f32 v6, v4  }
0x41: {  	[tilespmem:s28+$0x14100] =	vst v2;
	v1 =	vmul.f32 v1, v3  }
0x42: {  	s26 =	sadd.s32 $0x1, s26;
	[tilespmem:s28+$0x14110] =	vst v4;
	v0 =	vmul.f32 v0, v7  }
0x43: {  	p0 =	sne.s32 s26, $0xA0;
	[tilespmem:s28+$0x14120] =	vst v1  }
.Ltmp1:
0x44: {  	[tilespmem:s28+$0x14130] =	vst v0;
	(pc) =	sbr.rel @p0 .LBB2_2-.Ltmp1, $4  }
0x45: {  	[spmem:s3] =	stream.indirect.scatter.add.f32 [tilespmem:s25], [sflag:$0x1], $0x40, s21, s23, $0xb8;
	[tilespmem:$0x18100] =	vst v63  }
0x46: {  	_ =	swait.ge [sflag:s16], $0x2000  }
0x47: {  	[sflag:s16] =	ssyncset.done $0x0  }
0x48: {  	[sflag:s16] =	ssyncadd.s32 $0xFFFFE000  }
0x49: {  	s5 =	sadd.s32 $0x1, s5  }
0x4a: {  	p0 =	sne.s32 s5, s14  }
.Ltmp2:
0x4b: {  	[bflag:$0x0] =	sbarrier.arrive $0xFFFF;
	(pc) =	sbr.rel @p0 .LBB2_1-.Ltmp2, $4  }
0x4c: {  	[hbm:s13@s18], [sflag:s11] =	dma.strided [spmem:s19@s17], $0x1400, s16, $0x8   }
0x4d: {  	_ =	swait.ge [sflag:s16], $0x1400  }
0x4e: {  	[sflag:s16] =	ssyncset.done $0x0  }
0x4f: {  	[sflag:s16] =	ssyncadd.s32 $0xFFFFEC00  }
0x50: {  	_ =	sfence.sel $0x180000  }
0x51: {  	[bflag:$0x0] =	sbarrier.arrive $0xFFFF  }
0x52: {  	p0 =	sne.s32 s4, $0x0;
	_ =	strace $0x90000047  }
0x53: {  	s0 =	sadd.s32 @!p0 $0x100000, s0;
	[bflag:$0x2] =	sbarrier.arrive $0xFFFF  }
0x54: {  	[sflag:s0] =	ssyncadd.tile.s32 @!p0 $0x1;
	_ =	shalt  }
.Lfunc_end2:
_tile_overlayer_lowered:
.L_overlay_start_2:
0x55: {  	(tag) =	ssettag $0x2  }
0x56: {  	s0 =	rddreg [dreg:$0x0];
	s2 =	stileid.u32  }
0x57: {  	s1 =	rddreg [dreg:$0x1];
	p0 =	sne.s32 s2, $0x0  }
0x58: {  	s3 =	rddreg [dreg:$0x2];
	[bflag:$0x3] =	sbarrier.arrive $0xFFFF;
	s2 =	simm.s32 @!p0 $0x1C01  }
0x59: {  	[timem:s3], [sflag:s2] =	dma.local @!p0 [hbm:s0], s1  }
0x5a: {  	s0 =	simm.s32 @!p0 $0x1  }
0x5b: {  	_ =	swait.ge @!p0 [sflag:s0], s1  }
0x5c: {  	s1 =	ssub.s32 @!p0 $0x0, s1;
	[sflag:s0] =	ssyncset.done @!p0 $0x0  }
0x5d: {  	[sflag:s0] =	ssyncadd.s32 @!p0 s1  }
0x5e: {  	[bflag:$0x3] =	sbarrier.arrive $0xFFFF  }
0x5f: {  	_ =	shalt  }

</sc_bundles>
